<compile_context>
chip_gen: v7x
topology: tpu7x:2x2x1
jax: 0.10.2.dev20260603
libtpu: 0.0.44.dev20260713+nightly
codegen_flags: <defaults>
</compile_context>

<pallas_src>
import functools

import jax
import jax.numpy as jnp
from jax import lax
from jax.experimental import pallas as pl
from jax.experimental.pallas import tpu as pltpu
from jax.experimental.pallas import tpu_sc as plsc

N_CODES = 1024
DIM = 64
DIM_PAD = 128
N_ROWS = 32 * 1024
BLOCK_ROWS = 4096
COMMITMENT = 0.25

_SC_CORES = 2
_SC_SUBCORES = 16
_SC_WORKERS = _SC_CORES * _SC_SUBCORES
_ROWS_PER_WORKER = N_ROWS // _SC_WORKERS
_IDX_CHUNK = 128
_N_CHUNKS = _ROWS_PER_WORKER // _IDX_CHUNK
_ROUND_CHUNKS = 4
_ROUND_ROWS = _ROUND_CHUNKS * _IDX_CHUNK


def _vq_body(x_ref, esq_ref, e_ref, idx_ref, loss_ref):
    x = x_ref[...]
    e = e_ref[...]
    e2 = e + e
    mm2 = lax.dot_general(x, e2, (((1,), (1,)), ((), ())),
                          preferred_element_type=jnp.float32)
    x_sq = jnp.sum(x * x, axis=1, keepdims=True)
    d = (x_sq + esq_ref[...]) - mm2
    lanes = 128
    nseg = N_CODES // lanes
    base = lax.broadcasted_iota(jnp.int32, (1, lanes), 1).astype(jnp.float32)
    pairs = [(d[:, k * lanes:(k + 1) * lanes], base + float(k * lanes))
             for k in range(nseg)]
    while len(pairs) > 1:
        nxt = []
        for i in range(0, len(pairs), 2):
            (va, ca), (vb, cb) = pairs[i], pairs[i + 1]
            take = vb < va
            nxt.append((jnp.minimum(va, vb), jnp.where(take, cb, ca)))
        pairs = nxt
    v, c = pairs[0]
    min_d = jnp.min(v, axis=1, keepdims=True)
    idxf = jnp.min(jnp.where(v == min_d, c, float(N_CODES)), axis=1)
    idx = idxf.astype(jnp.int32)
    idx_ref[...] = idx.reshape(BLOCK_ROWS // 128, 128)

    @pl.when(pl.program_id(0) == 0)
    def _init():
        loss_ref[0, 0] = 0.0

    loss_ref[0, 0] += jnp.sum(min_d)

    @pl.when(pl.program_id(0) == pl.num_programs(0) - 1)
    def _finish():
        loss_ref[0, 0] *= (1.0 + COMMITMENT) / (N_ROWS * DIM)


def _distance_argmin(flat, e_sq, embeddings):
    grid = N_ROWS // BLOCK_ROWS
    return pl.pallas_call(
        _vq_body,
        grid=(grid,),
        in_specs=[
            pl.BlockSpec((BLOCK_ROWS, DIM), lambda i: (i, 0)),
            pl.BlockSpec((1, N_CODES), lambda i: (0, 0)),
            pl.BlockSpec((N_CODES, DIM), lambda i: (0, 0)),
        ],
        out_specs=[
            pl.BlockSpec((BLOCK_ROWS // 128, 128), lambda i: (i, 0)),
            pl.BlockSpec((1, 1), lambda i: (0, 0), memory_space=pltpu.SMEM),
        ],
        out_shape=[
            jax.ShapeDtypeStruct((N_ROWS // 128, 128), jnp.int32),
            jax.ShapeDtypeStruct((1, 1), jnp.float32),
        ],
    )(flat, e_sq, embeddings)


@functools.lru_cache(maxsize=None)
def _make_sc_gather():
    @functools.partial(
        pl.kernel,
        out_type=jax.ShapeDtypeStruct((N_ROWS, DIM_PAD), jnp.float32),
        mesh=plsc.VectorSubcoreMesh(core_axis_name="c", subcore_axis_name="s"),
        scratch_types=[
            pltpu.VMEM((_N_CHUNKS, _IDX_CHUNK), jnp.int32),
            pltpu.VMEM((_ROUND_ROWS, DIM_PAD), jnp.float32),
            pltpu.SemaphoreType.DMA,
        ],
    )
    def _sc_gather(table_hbm, idx_hbm, out_hbm, idx_v, rows_v, sem):
        wid = lax.axis_index("s") * _SC_CORES + lax.axis_index("c")
        base = wid * _ROWS_PER_WORKER
        pltpu.sync_copy(idx_hbm.at[wid], idx_v)
        for r in range(_N_CHUNKS // _ROUND_CHUNKS):
            copies = [
                pltpu.async_copy(
                    table_hbm.at[idx_v.at[r * _ROUND_CHUNKS + j]],
                    rows_v.at[pl.ds(j * _IDX_CHUNK, _IDX_CHUNK)],
                    sem,
                )
                for j in range(_ROUND_CHUNKS)
            ]
            for cp in copies:
                cp.wait()
            pltpu.sync_copy(
                rows_v,
                out_hbm.at[pl.ds(base + r * _ROUND_ROWS, _ROUND_ROWS)],
            )

    return _sc_gather


def kernel(inputs, embeddings):
    flat = inputs.reshape(-1, DIM)
    e_sq = jnp.sum(embeddings ** 2, axis=1)[None, :]
    e_pad = jnp.pad(embeddings, ((0, 0), (0, DIM_PAD - DIM)))
    idx_packed, loss11 = _distance_argmin(flat, e_sq, embeddings)
    idx3d = idx_packed.reshape(_SC_WORKERS, _N_CHUNKS, _IDX_CHUNK)
    qwide = _make_sc_gather()(e_pad, idx3d)
    quantized = qwide[:, :DIM]
    return (quantized.reshape(inputs.shape), loss11[0, 0],
            idx_packed.reshape(N_ROWS, 1))

# --- scband reference (transcript-rebuilt; emitter-appended) ---
"""Pipeline reference for scband-vector-quantizer-39127152067278 (READ-ONLY COPY).

The authoritative reference and input builder live on the scoring server;
editing this copy changes nothing except your own understanding.
"""

import jax, jax.numpy as jnp
import numpy as np

N_EMBEDDINGS = 1024
EMBEDDING_DIM = 64
COMMITMENT_COST = 0.25


def setup_inputs(seed: int = 0) -> dict:
    key = jax.random.key(seed)
    k1, k2 = jax.random.split(key)
    inputs = jax.random.normal(k1, (32, 1024, EMBEDDING_DIM), dtype=jnp.float32)
    embeddings = jax.random.uniform(
        k2, (N_EMBEDDINGS, EMBEDDING_DIM),
        minval=-1.0 / N_EMBEDDINGS, maxval=1.0 / N_EMBEDDINGS, dtype=jnp.float32)
    return {"inputs": inputs, "embeddings": embeddings}


def reference(inputs, embeddings):
    d = inputs.shape[-1]
    flat_input = inputs.reshape(-1, d)
    distances = (jnp.sum(flat_input ** 2, axis=1, keepdims=True)
                 + jnp.sum(embeddings ** 2, axis=1)
                 - 2.0 * jnp.matmul(flat_input, embeddings.T))
    encoding_indices = jnp.argmin(distances, axis=1)
    quantized = jnp.take(embeddings, encoding_indices, axis=0).reshape(inputs.shape)
    e_latent_loss = jnp.mean((jax.lax.stop_gradient(quantized) - inputs) ** 2)
    q_latent_loss = jnp.mean((quantized - jax.lax.stop_gradient(inputs)) ** 2)
    loss = q_latent_loss + COMMITMENT_COST * e_latent_loss
    quantized_st = inputs + jax.lax.stop_gradient(quantized - inputs)
    return (quantized_st, loss, encoding_indices[:, None])

if __name__ == "__main__":
    import jax
    _d = setup_inputs()
    print(jax.jit(kernel)(*tuple(_d.values())))

</pallas_src>

<mosaic_0001>
#map = affine_map<(d0, d1) -> (0, 0)>
#map1 = affine_map<(d0, d1) -> (0, 0, 0)>
module attributes {stable_mosaic.version = 14 : i64} {
  func.func @_sc_gather(%arg0: i32, %arg1: i32, %arg2: memref<1024x128xf32, #tpu.memory_space<hbm>>, %arg3: memref<32x8x128xi32, #tpu.memory_space<hbm>>, %arg4: memref<32768x128xf32, #tpu.memory_space<hbm>>, %arg5: memref<8x128xi32, #tpu.memory_space<vmem>>, %arg6: memref<512x128xf32, #tpu.memory_space<vmem>>, %arg7: memref<!tpu.dma_semaphore, #tpu.memory_space<semaphore_mem>>) attributes {dimension_semantics = [#tpu.dimension_semantics<core_parallel>, #tpu.dimension_semantics<subcore_parallel>], iteration_bounds = array<i64: 2, 16>, scalar_prefetch = 0 : i64, scratch_operands = 3 : i64, tpu.core_type = #tpu.core_type<sc_vector_subcore>, window_params = [{transform_indices = #map}, {transform_indices = #map1}, {transform_indices = #map}]} {
    %mul3A = arith.constant 2 : i32
    %mul3A_0 = arith.muli %arg1, %mul3A : i32
    %add3A = arith.addi %mul3A_0, %arg0 : i32
    %mul3A_1 = arith.constant 1024 : i32
    %mul3A_2 = arith.muli %add3A, %mul3A_1 : i32
    "tpu.region"() ({
      %run_scoped3A = tpu.sem_alloc : memref<!tpu.dma_semaphore, #tpu.memory_space<semaphore_mem>>
      %dma_start3A_165 = arith.constant 0 : i32
      %dma_start3A_166 = arith.constant 0 : i32
      %dma_start3A_167 = tpu.memref_slice %arg3[%add3A, %dma_start3A_165, %dma_start3A_166] : memref<32x8x128xi32, #tpu.memory_space<hbm>> -> memref<1x8x128xi32, #tpu.memory_space<hbm>>
      %dma_start3A_168 = tpu.memref_squeeze %dma_start3A_167 : memref<1x8x128xi32, #tpu.memory_space<hbm>> -> memref<8x128xi32, #tpu.memory_space<hbm>>
      %dma_start3A_169 = arith.constant 0 : i32
      %dma_start3A_170 = arith.constant 0 : i32
      %dma_start3A_171 = tpu.memref_slice %arg3[%add3A, %dma_start3A_169, %dma_start3A_170] : memref<32x8x128xi32, #tpu.memory_space<hbm>> -> memref<1x8x128xi32, #tpu.memory_space<hbm>>
      %dma_start3A_172 = tpu.memref_squeeze %dma_start3A_171 : memref<1x8x128xi32, #tpu.memory_space<hbm>> -> memref<8x128xi32, #tpu.memory_space<hbm>>
      tpu.enqueue_dma source(%dma_start3A_172 : memref<8x128xi32, #tpu.memory_space<hbm>>) target(%arg5 : memref<8x128xi32, #tpu.memory_space<vmem>>) target_semaphore(%run_scoped3A : memref<!tpu.dma_semaphore, #tpu.memory_space<semaphore_mem>>)
      %dma_wait3A_173 = arith.constant 0 : i32
      %dma_wait3A_174 = arith.constant 0 : i32
      %dma_wait3A_175 = tpu.memref_slice %arg3[%add3A, %dma_wait3A_173, %dma_wait3A_174] : memref<32x8x128xi32, #tpu.memory_space<hbm>> -> memref<1x8x128xi32, #tpu.memory_space<hbm>>
      %dma_wait3A_176 = tpu.memref_squeeze %dma_wait3A_175 : memref<1x8x128xi32, #tpu.memory_space<hbm>> -> memref<8x128xi32, #tpu.memory_space<hbm>>
      %dma_wait3A_177 = arith.constant 0 : i32
      %dma_wait3A_178 = arith.constant 0 : i32
      %dma_wait3A_179 = tpu.memref_slice %arg3[%add3A, %dma_wait3A_177, %dma_wait3A_178] : memref<32x8x128xi32, #tpu.memory_space<hbm>> -> memref<1x8x128xi32, #tpu.memory_space<hbm>>
      %dma_wait3A_180 = tpu.memref_squeeze %dma_wait3A_179 : memref<1x8x128xi32, #tpu.memory_space<hbm>> -> memref<8x128xi32, #tpu.memory_space<hbm>>
      tpu.wait_dma2 semaphore(%run_scoped3A : memref<!tpu.dma_semaphore, #tpu.memory_space<semaphore_mem>>) src(%dma_wait3A_180 : memref<8x128xi32, #tpu.memory_space<hbm>>) dst(%arg5 : memref<8x128xi32, #tpu.memory_space<vmem>>)
      tpu.yield
    }) : () -> ()
    %dma_start3A = arith.constant 0 : i32
    %dma_start3A_3 = arith.constant 0 : i32
    %dma_start3A_4 = arith.constant 0 : i32
    %dma_start3A_5 = tpu.memref_slice %arg6[%dma_start3A_3, %dma_start3A_4] : memref<512x128xf32, #tpu.memory_space<vmem>> -> memref<128x128xf32, #tpu.memory_space<vmem>>
    %dma_start3A_6 = arith.constant 0 : i32
    %dma_start3A_7 = tpu.memref_slice %arg5[%dma_start3A, %dma_start3A_6] : memref<8x128xi32, #tpu.memory_space<vmem>> -> memref<1x128xi32, #tpu.memory_space<vmem>>
    %dma_start3A_8 = tpu.memref_squeeze %dma_start3A_7 : memref<1x128xi32, #tpu.memory_space<vmem>> -> memref<128xi32, #tpu.memory_space<vmem>>
    %dma_start3A_9 = arith.constant 0 : i32
    %dma_start3A_10 = arith.constant 0 : i32
    %dma_start3A_11 = tpu.memref_slice %arg2[%dma_start3A_9, %dma_start3A_10] : memref<1024x128xf32, #tpu.memory_space<hbm>> -> memref<1024x128xf32, #tpu.memory_space<hbm>>
    tpu.enqueue_indirect_dma source(%dma_start3A_11 : memref<1024x128xf32, #tpu.memory_space<hbm>>) target(%dma_start3A_5 : memref<128x128xf32, #tpu.memory_space<vmem>>) offsets(%dma_start3A_8 : memref<128xi32, #tpu.memory_space<vmem>>) semaphore(%arg7 : memref<!tpu.dma_semaphore, #tpu.memory_space<semaphore_mem>>)
    %dma_start3A_12 = arith.constant 1 : i32
    %dma_start3A_13 = arith.constant 128 : i32
    %dma_start3A_14 = arith.constant 0 : i32
    %dma_start3A_15 = tpu.memref_slice %arg6[%dma_start3A_13, %dma_start3A_14] : memref<512x128xf32, #tpu.memory_space<vmem>> -> memref<128x128xf32, #tpu.memory_space<vmem>>
    %dma_start3A_16 = arith.constant 0 : i32
    %dma_start3A_17 = tpu.memref_slice %arg5[%dma_start3A_12, %dma_start3A_16] : memref<8x128xi32, #tpu.memory_space<vmem>> -> memref<1x128xi32, #tpu.memory_space<vmem>>
    %dma_start3A_18 = tpu.memref_squeeze %dma_start3A_17 : memref<1x128xi32, #tpu.memory_space<vmem>> -> memref<128xi32, #tpu.memory_space<vmem>>
    %dma_start3A_19 = arith.constant 0 : i32
    %dma_start3A_20 = arith.constant 0 : i32
    %dma_start3A_21 = tpu.memref_slice %arg2[%dma_start3A_19, %dma_start3A_20] : memref<1024x128xf32, #tpu.memory_space<hbm>> -> memref<1024x128xf32, #tpu.memory_space<hbm>>
    tpu.enqueue_indirect_dma source(%dma_start3A_21 : memref<1024x128xf32, #tpu.memory_space<hbm>>) target(%dma_start3A_15 : memref<128x128xf32, #tpu.memory_space<vmem>>) offsets(%dma_start3A_18 : memref<128xi32, #tpu.memory_space<vmem>>) semaphore(%arg7 : memref<!tpu.dma_semaphore, #tpu.memory_space<semaphore_mem>>)
    %dma_start3A_22 = arith.constant 2 : i32
    %dma_start3A_23 = arith.constant 256 : i32
    %dma_start3A_24 = arith.constant 0 : i32
    %dma_start3A_25 = tpu.memref_slice %arg6[%dma_start3A_23, %dma_start3A_24] : memref<512x128xf32, #tpu.memory_space<vmem>> -> memref<128x128xf32, #tpu.memory_space<vmem>>
    %dma_start3A_26 = arith.constant 0 : i32
    %dma_start3A_27 = tpu.memref_slice %arg5[%dma_start3A_22, %dma_start3A_26] : memref<8x128xi32, #tpu.memory_space<vmem>> -> memref<1x128xi32, #tpu.memory_space<vmem>>
    %dma_start3A_28 = tpu.memref_squeeze %dma_start3A_27 : memref<1x128xi32, #tpu.memory_space<vmem>> -> memref<128xi32, #tpu.memory_space<vmem>>
    %dma_start3A_29 = arith.constant 0 : i32
    %dma_start3A_30 = arith.constant 0 : i32
    %dma_start3A_31 = tpu.memref_slice %arg2[%dma_start3A_29, %dma_start3A_30] : memref<1024x128xf32, #tpu.memory_space<hbm>> -> memref<1024x128xf32, #tpu.memory_space<hbm>>
    tpu.enqueue_indirect_dma source(%dma_start3A_31 : memref<1024x128xf32, #tpu.memory_space<hbm>>) target(%dma_start3A_25 : memref<128x128xf32, #tpu.memory_space<vmem>>) offsets(%dma_start3A_28 : memref<128xi32, #tpu.memory_space<vmem>>) semaphore(%arg7 : memref<!tpu.dma_semaphore, #tpu.memory_space<semaphore_mem>>)
    %dma_start3A_32 = arith.constant 3 : i32
    %dma_start3A_33 = arith.constant 384 : i32
    %dma_start3A_34 = arith.constant 0 : i32
    %dma_start3A_35 = tpu.memref_slice %arg6[%dma_start3A_33, %dma_start3A_34] : memref<512x128xf32, #tpu.memory_space<vmem>> -> memref<128x128xf32, #tpu.memory_space<vmem>>
    %dma_start3A_36 = arith.constant 0 : i32
    %dma_start3A_37 = tpu.memref_slice %arg5[%dma_start3A_32, %dma_start3A_36] : memref<8x128xi32, #tpu.memory_space<vmem>> -> memref<1x128xi32, #tpu.memory_space<vmem>>
    %dma_start3A_38 = tpu.memref_squeeze %dma_start3A_37 : memref<1x128xi32, #tpu.memory_space<vmem>> -> memref<128xi32, #tpu.memory_space<vmem>>
    %dma_start3A_39 = arith.constant 0 : i32
    %dma_start3A_40 = arith.constant 0 : i32
    %dma_start3A_41 = tpu.memref_slice %arg2[%dma_start3A_39, %dma_start3A_40] : memref<1024x128xf32, #tpu.memory_space<hbm>> -> memref<1024x128xf32, #tpu.memory_space<hbm>>
    tpu.enqueue_indirect_dma source(%dma_start3A_41 : memref<1024x128xf32, #tpu.memory_space<hbm>>) target(%dma_start3A_35 : memref<128x128xf32, #tpu.memory_space<vmem>>) offsets(%dma_start3A_38 : memref<128xi32, #tpu.memory_space<vmem>>) semaphore(%arg7 : memref<!tpu.dma_semaphore, #tpu.memory_space<semaphore_mem>>)
    %dma_wait3A = arith.constant 0 : i32
    %dma_wait3A_42 = arith.constant 0 : i32
    %dma_wait3A_43 = arith.constant 0 : i32
    %dma_wait3A_44 = tpu.memref_slice %arg6[%dma_wait3A_42, %dma_wait3A_43] : memref<512x128xf32, #tpu.memory_space<vmem>> -> memref<128x128xf32, #tpu.memory_space<vmem>>
    %dma_wait3A_45 = arith.constant 0 : i32
    %dma_wait3A_46 = tpu.memref_slice %arg5[%dma_wait3A, %dma_wait3A_45] : memref<8x128xi32, #tpu.memory_space<vmem>> -> memref<1x128xi32, #tpu.memory_space<vmem>>
    %dma_wait3A_47 = tpu.memref_squeeze %dma_wait3A_46 : memref<1x128xi32, #tpu.memory_space<vmem>> -> memref<128xi32, #tpu.memory_space<vmem>>
    %dma_wait3A_48 = arith.constant 0 : i32
    %dma_wait3A_49 = arith.constant 0 : i32
    %dma_wait3A_50 = tpu.memref_slice %arg2[%dma_wait3A_48, %dma_wait3A_49] : memref<1024x128xf32, #tpu.memory_space<hbm>> -> memref<1024x128xf32, #tpu.memory_space<hbm>>
    tpu.wait_indirect_dma semaphore(%arg7 : memref<!tpu.dma_semaphore, #tpu.memory_space<semaphore_mem>>) src(%dma_wait3A_50 : memref<1024x128xf32, #tpu.memory_space<hbm>>) dst(%dma_wait3A_44 : memref<128x128xf32, #tpu.memory_space<vmem>>)
    %dma_wait3A_51 = arith.constant 1 : i32
    %dma_wait3A_52 = arith.constant 128 : i32
    %dma_wait3A_53 = arith.constant 0 : i32
    %dma_wait3A_54 = tpu.memref_slice %arg6[%dma_wait3A_52, %dma_wait3A_53] : memref<512x128xf32, #tpu.memory_space<vmem>> -> memref<128x128xf32, #tpu.memory_space<vmem>>
    %dma_wait3A_55 = arith.constant 0 : i32
    %dma_wait3A_56 = tpu.memref_slice %arg5[%dma_wait3A_51, %dma_wait3A_55] : memref<8x128xi32, #tpu.memory_space<vmem>> -> memref<1x128xi32, #tpu.memory_space<vmem>>
    %dma_wait3A_57 = tpu.memref_squeeze %dma_wait3A_56 : memref<1x128xi32, #tpu.memory_space<vmem>> -> memref<128xi32, #tpu.memory_space<vmem>>
    %dma_wait3A_58 = arith.constant 0 : i32
    %dma_wait3A_59 = arith.constant 0 : i32
    %dma_wait3A_60 = tpu.memref_slice %arg2[%dma_wait3A_58, %dma_wait3A_59] : memref<1024x128xf32, #tpu.memory_space<hbm>> -> memref<1024x128xf32, #tpu.memory_space<hbm>>
    tpu.wait_indirect_dma semaphore(%arg7 : memref<!tpu.dma_semaphore, #tpu.memory_space<semaphore_mem>>) src(%dma_wait3A_60 : memref<1024x128xf32, #tpu.memory_space<hbm>>) dst(%dma_wait3A_54 : memref<128x128xf32, #tpu.memory_space<vmem>>)
    %dma_wait3A_61 = arith.constant 2 : i32
    %dma_wait3A_62 = arith.constant 256 : i32
    %dma_wait3A_63 = arith.constant 0 : i32
    %dma_wait3A_64 = tpu.memref_slice %arg6[%dma_wait3A_62, %dma_wait3A_63] : memref<512x128xf32, #tpu.memory_space<vmem>> -> memref<128x128xf32, #tpu.memory_space<vmem>>
    %dma_wait3A_65 = arith.constant 0 : i32
    %dma_wait3A_66 = tpu.memref_slice %arg5[%dma_wait3A_61, %dma_wait3A_65] : memref<8x128xi32, #tpu.memory_space<vmem>> -> memref<1x128xi32, #tpu.memory_space<vmem>>
    %dma_wait3A_67 = tpu.memref_squeeze %dma_wait3A_66 : memref<1x128xi32, #tpu.memory_space<vmem>> -> memref<128xi32, #tpu.memory_space<vmem>>
    %dma_wait3A_68 = arith.constant 0 : i32
    %dma_wait3A_69 = arith.constant 0 : i32
    %dma_wait3A_70 = tpu.memref_slice %arg2[%dma_wait3A_68, %dma_wait3A_69] : memref<1024x128xf32, #tpu.memory_space<hbm>> -> memref<1024x128xf32, #tpu.memory_space<hbm>>
    tpu.wait_indirect_dma semaphore(%arg7 : memref<!tpu.dma_semaphore, #tpu.memory_space<semaphore_mem>>) src(%dma_wait3A_70 : memref<1024x128xf32, #tpu.memory_space<hbm>>) dst(%dma_wait3A_64 : memref<128x128xf32, #tpu.memory_space<vmem>>)
    %dma_wait3A_71 = arith.constant 3 : i32
    %dma_wait3A_72 = arith.constant 384 : i32
    %dma_wait3A_73 = arith.constant 0 : i32
    %dma_wait3A_74 = tpu.memref_slice %arg6[%dma_wait3A_72, %dma_wait3A_73] : memref<512x128xf32, #tpu.memory_space<vmem>> -> memref<128x128xf32, #tpu.memory_space<vmem>>
    %dma_wait3A_75 = arith.constant 0 : i32
    %dma_wait3A_76 = tpu.memref_slice %arg5[%dma_wait3A_71, %dma_wait3A_75] : memref<8x128xi32, #tpu.memory_space<vmem>> -> memref<1x128xi32, #tpu.memory_space<vmem>>
    %dma_wait3A_77 = tpu.memref_squeeze %dma_wait3A_76 : memref<1x128xi32, #tpu.memory_space<vmem>> -> memref<128xi32, #tpu.memory_space<vmem>>
    %dma_wait3A_78 = arith.constant 0 : i32
    %dma_wait3A_79 = arith.constant 0 : i32
    %dma_wait3A_80 = tpu.memref_slice %arg2[%dma_wait3A_78, %dma_wait3A_79] : memref<1024x128xf32, #tpu.memory_space<hbm>> -> memref<1024x128xf32, #tpu.memory_space<hbm>>
    tpu.wait_indirect_dma semaphore(%arg7 : memref<!tpu.dma_semaphore, #tpu.memory_space<semaphore_mem>>) src(%dma_wait3A_80 : memref<1024x128xf32, #tpu.memory_space<hbm>>) dst(%dma_wait3A_74 : memref<128x128xf32, #tpu.memory_space<vmem>>)
    %add3A_81 = arith.constant 0 : i32
    %add3A_82 = arith.addi %mul3A_2, %add3A_81 : i32
    "tpu.region"() ({
      %run_scoped3A = tpu.sem_alloc : memref<!tpu.dma_semaphore, #tpu.memory_space<semaphore_mem>>
      %dma_start3A_165 = arith.constant 0 : i32
      %dma_start3A_166 = tpu.memref_slice %arg4[%add3A_82, %dma_start3A_165] : memref<32768x128xf32, #tpu.memory_space<hbm>> -> memref<512x128xf32, #tpu.memory_space<hbm>>
      %dma_start3A_167 = arith.constant 0 : i32
      %dma_start3A_168 = tpu.memref_slice %arg4[%add3A_82, %dma_start3A_167] : memref<32768x128xf32, #tpu.memory_space<hbm>> -> memref<512x128xf32, #tpu.memory_space<hbm>>
      tpu.enqueue_dma source(%arg6 : memref<512x128xf32, #tpu.memory_space<vmem>>) target(%dma_start3A_168 : memref<512x128xf32, #tpu.memory_space<hbm>>) target_semaphore(%run_scoped3A : memref<!tpu.dma_semaphore, #tpu.memory_space<semaphore_mem>>)
      %dma_wait3A_169 = arith.constant 0 : i32
      %dma_wait3A_170 = tpu.memref_slice %arg4[%add3A_82, %dma_wait3A_169] : memref<32768x128xf32, #tpu.memory_space<hbm>> -> memref<512x128xf32, #tpu.memory_space<hbm>>
      %dma_wait3A_171 = arith.constant 0 : i32
      %dma_wait3A_172 = tpu.memref_slice %arg4[%add3A_82, %dma_wait3A_171] : memref<32768x128xf32, #tpu.memory_space<hbm>> -> memref<512x128xf32, #tpu.memory_space<hbm>>
      tpu.wait_dma2 semaphore(%run_scoped3A : memref<!tpu.dma_semaphore, #tpu.memory_space<semaphore_mem>>) src(%arg6 : memref<512x128xf32, #tpu.memory_space<vmem>>) dst(%dma_wait3A_172 : memref<512x128xf32, #tpu.memory_space<hbm>>)
      tpu.yield
    }) : () -> ()
    %dma_start3A_83 = arith.constant 4 : i32
    %dma_start3A_84 = arith.constant 0 : i32
    %dma_start3A_85 = arith.constant 0 : i32
    %dma_start3A_86 = tpu.memref_slice %arg6[%dma_start3A_84, %dma_start3A_85] : memref<512x128xf32, #tpu.memory_space<vmem>> -> memref<128x128xf32, #tpu.memory_space<vmem>>
    %dma_start3A_87 = arith.constant 0 : i32
    %dma_start3A_88 = tpu.memref_slice %arg5[%dma_start3A_83, %dma_start3A_87] : memref<8x128xi32, #tpu.memory_space<vmem>> -> memref<1x128xi32, #tpu.memory_space<vmem>>
    %dma_start3A_89 = tpu.memref_squeeze %dma_start3A_88 : memref<1x128xi32, #tpu.memory_space<vmem>> -> memref<128xi32, #tpu.memory_space<vmem>>
    %dma_start3A_90 = arith.constant 0 : i32
    %dma_start3A_91 = arith.constant 0 : i32
    %dma_start3A_92 = tpu.memref_slice %arg2[%dma_start3A_90, %dma_start3A_91] : memref<1024x128xf32, #tpu.memory_space<hbm>> -> memref<1024x128xf32, #tpu.memory_space<hbm>>
    tpu.enqueue_indirect_dma source(%dma_start3A_92 : memref<1024x128xf32, #tpu.memory_space<hbm>>) target(%dma_start3A_86 : memref<128x128xf32, #tpu.memory_space<vmem>>) offsets(%dma_start3A_89 : memref<128xi32, #tpu.memory_space<vmem>>) semaphore(%arg7 : memref<!tpu.dma_semaphore, #tpu.memory_space<semaphore_mem>>)
    %dma_start3A_93 = arith.constant 5 : i32
    %dma_start3A_94 = arith.constant 128 : i32
    %dma_start3A_95 = arith.constant 0 : i32
    %dma_start3A_96 = tpu.memref_slice %arg6[%dma_start3A_94, %dma_start3A_95] : memref<512x128xf32, #tpu.memory_space<vmem>> -> memref<128x128xf32, #tpu.memory_space<vmem>>
    %dma_start3A_97 = arith.constant 0 : i32
    %dma_start3A_98 = tpu.memref_slice %arg5[%dma_start3A_93, %dma_start3A_97] : memref<8x128xi32, #tpu.memory_space<vmem>> -> memref<1x128xi32, #tpu.memory_space<vmem>>
    %dma_start3A_99 = tpu.memref_squeeze %dma_start3A_98 : memref<1x128xi32, #tpu.memory_space<vmem>> -> memref<128xi32, #tpu.memory_space<vmem>>
    %dma_start3A_100 = arith.constant 0 : i32
    %dma_start3A_101 = arith.constant 0 : i32
    %dma_start3A_102 = tpu.memref_slice %arg2[%dma_start3A_100, %dma_start3A_101] : memref<1024x128xf32, #tpu.memory_space<hbm>> -> memref<1024x128xf32, #tpu.memory_space<hbm>>
    tpu.enqueue_indirect_dma source(%dma_start3A_102 : memref<1024x128xf32, #tpu.memory_space<hbm>>) target(%dma_start3A_96 : memref<128x128xf32, #tpu.memory_space<vmem>>) offsets(%dma_start3A_99 : memref<128xi32, #tpu.memory_space<vmem>>) semaphore(%arg7 : memref<!tpu.dma_semaphore, #tpu.memory_space<semaphore_mem>>)
    %dma_start3A_103 = arith.constant 6 : i32
    %dma_start3A_104 = arith.constant 256 : i32
    %dma_start3A_105 = arith.constant 0 : i32
    %dma_start3A_106 = tpu.memref_slice %arg6[%dma_start3A_104, %dma_start3A_105] : memref<512x128xf32, #tpu.memory_space<vmem>> -> memref<128x128xf32, #tpu.memory_space<vmem>>
    %dma_start3A_107 = arith.constant 0 : i32
    %dma_start3A_108 = tpu.memref_slice %arg5[%dma_start3A_103, %dma_start3A_107] : memref<8x128xi32, #tpu.memory_space<vmem>> -> memref<1x128xi32, #tpu.memory_space<vmem>>
    %dma_start3A_109 = tpu.memref_squeeze %dma_start3A_108 : memref<1x128xi32, #tpu.memory_space<vmem>> -> memref<128xi32, #tpu.memory_space<vmem>>
    %dma_start3A_110 = arith.constant 0 : i32
    %dma_start3A_111 = arith.constant 0 : i32
    %dma_start3A_112 = tpu.memref_slice %arg2[%dma_start3A_110, %dma_start3A_111] : memref<1024x128xf32, #tpu.memory_space<hbm>> -> memref<1024x128xf32, #tpu.memory_space<hbm>>
    tpu.enqueue_indirect_dma source(%dma_start3A_112 : memref<1024x128xf32, #tpu.memory_space<hbm>>) target(%dma_start3A_106 : memref<128x128xf32, #tpu.memory_space<vmem>>) offsets(%dma_start3A_109 : memref<128xi32, #tpu.memory_space<vmem>>) semaphore(%arg7 : memref<!tpu.dma_semaphore, #tpu.memory_space<semaphore_mem>>)
    %dma_start3A_113 = arith.constant 7 : i32
    %dma_start3A_114 = arith.constant 384 : i32
    %dma_start3A_115 = arith.constant 0 : i32
    %dma_start3A_116 = tpu.memref_slice %arg6[%dma_start3A_114, %dma_start3A_115] : memref<512x128xf32, #tpu.memory_space<vmem>> -> memref<128x128xf32, #tpu.memory_space<vmem>>
    %dma_start3A_117 = arith.constant 0 : i32
    %dma_start3A_118 = tpu.memref_slice %arg5[%dma_start3A_113, %dma_start3A_117] : memref<8x128xi32, #tpu.memory_space<vmem>> -> memref<1x128xi32, #tpu.memory_space<vmem>>
    %dma_start3A_119 = tpu.memref_squeeze %dma_start3A_118 : memref<1x128xi32, #tpu.memory_space<vmem>> -> memref<128xi32, #tpu.memory_space<vmem>>
    %dma_start3A_120 = arith.constant 0 : i32
    %dma_start3A_121 = arith.constant 0 : i32
    %dma_start3A_122 = tpu.memref_slice %arg2[%dma_start3A_120, %dma_start3A_121] : memref<1024x128xf32, #tpu.memory_space<hbm>> -> memref<1024x128xf32, #tpu.memory_space<hbm>>
    tpu.enqueue_indirect_dma source(%dma_start3A_122 : memref<1024x128xf32, #tpu.memory_space<hbm>>) target(%dma_start3A_116 : memref<128x128xf32, #tpu.memory_space<vmem>>) offsets(%dma_start3A_119 : memref<128xi32, #tpu.memory_space<vmem>>) semaphore(%arg7 : memref<!tpu.dma_semaphore, #tpu.memory_space<semaphore_mem>>)
    %dma_wait3A_123 = arith.constant 4 : i32
    %dma_wait3A_124 = arith.constant 0 : i32
    %dma_wait3A_125 = arith.constant 0 : i32
    %dma_wait3A_126 = tpu.memref_slice %arg6[%dma_wait3A_124, %dma_wait3A_125] : memref<512x128xf32, #tpu.memory_space<vmem>> -> memref<128x128xf32, #tpu.memory_space<vmem>>
    %dma_wait3A_127 = arith.constant 0 : i32
    %dma_wait3A_128 = tpu.memref_slice %arg5[%dma_wait3A_123, %dma_wait3A_127] : memref<8x128xi32, #tpu.memory_space<vmem>> -> memref<1x128xi32, #tpu.memory_space<vmem>>
    %dma_wait3A_129 = tpu.memref_squeeze %dma_wait3A_128 : memref<1x128xi32, #tpu.memory_space<vmem>> -> memref<128xi32, #tpu.memory_space<vmem>>
    %dma_wait3A_130 = arith.constant 0 : i32
    %dma_wait3A_131 = arith.constant 0 : i32
    %dma_wait3A_132 = tpu.memref_slice %arg2[%dma_wait3A_130, %dma_wait3A_131] : memref<1024x128xf32, #tpu.memory_space<hbm>> -> memref<1024x128xf32, #tpu.memory_space<hbm>>
    tpu.wait_indirect_dma semaphore(%arg7 : memref<!tpu.dma_semaphore, #tpu.memory_space<semaphore_mem>>) src(%dma_wait3A_132 : memref<1024x128xf32, #tpu.memory_space<hbm>>) dst(%dma_wait3A_126 : memref<128x128xf32, #tpu.memory_space<vmem>>)
    %dma_wait3A_133 = arith.constant 5 : i32
    %dma_wait3A_134 = arith.constant 128 : i32
    %dma_wait3A_135 = arith.constant 0 : i32
    %dma_wait3A_136 = tpu.memref_slice %arg6[%dma_wait3A_134, %dma_wait3A_135] : memref<512x128xf32, #tpu.memory_space<vmem>> -> memref<128x128xf32, #tpu.memory_space<vmem>>
    %dma_wait3A_137 = arith.constant 0 : i32
    %dma_wait3A_138 = tpu.memref_slice %arg5[%dma_wait3A_133, %dma_wait3A_137] : memref<8x128xi32, #tpu.memory_space<vmem>> -> memref<1x128xi32, #tpu.memory_space<vmem>>
    %dma_wait3A_139 = tpu.memref_squeeze %dma_wait3A_138 : memref<1x128xi32, #tpu.memory_space<vmem>> -> memref<128xi32, #tpu.memory_space<vmem>>
    %dma_wait3A_140 = arith.constant 0 : i32
    %dma_wait3A_141 = arith.constant 0 : i32
    %dma_wait3A_142 = tpu.memref_slice %arg2[%dma_wait3A_140, %dma_wait3A_141] : memref<1024x128xf32, #tpu.memory_space<hbm>> -> memref<1024x128xf32, #tpu.memory_space<hbm>>
    tpu.wait_indirect_dma semaphore(%arg7 : memref<!tpu.dma_semaphore, #tpu.memory_space<semaphore_mem>>) src(%dma_wait3A_142 : memref<1024x128xf32, #tpu.memory_space<hbm>>) dst(%dma_wait3A_136 : memref<128x128xf32, #tpu.memory_space<vmem>>)
    %dma_wait3A_143 = arith.constant 6 : i32
    %dma_wait3A_144 = arith.constant 256 : i32
    %dma_wait3A_145 = arith.constant 0 : i32
    %dma_wait3A_146 = tpu.memref_slice %arg6[%dma_wait3A_144, %dma_wait3A_145] : memref<512x128xf32, #tpu.memory_space<vmem>> -> memref<128x128xf32, #tpu.memory_space<vmem>>
    %dma_wait3A_147 = arith.constant 0 : i32
    %dma_wait3A_148 = tpu.memref_slice %arg5[%dma_wait3A_143, %dma_wait3A_147] : memref<8x128xi32, #tpu.memory_space<vmem>> -> memref<1x128xi32, #tpu.memory_space<vmem>>
    %dma_wait3A_149 = tpu.memref_squeeze %dma_wait3A_148 : memref<1x128xi32, #tpu.memory_space<vmem>> -> memref<128xi32, #tpu.memory_space<vmem>>
    %dma_wait3A_150 = arith.constant 0 : i32
    %dma_wait3A_151 = arith.constant 0 : i32
    %dma_wait3A_152 = tpu.memref_slice %arg2[%dma_wait3A_150, %dma_wait3A_151] : memref<1024x128xf32, #tpu.memory_space<hbm>> -> memref<1024x128xf32, #tpu.memory_space<hbm>>
    tpu.wait_indirect_dma semaphore(%arg7 : memref<!tpu.dma_semaphore, #tpu.memory_space<semaphore_mem>>) src(%dma_wait3A_152 : memref<1024x128xf32, #tpu.memory_space<hbm>>) dst(%dma_wait3A_146 : memref<128x128xf32, #tpu.memory_space<vmem>>)
    %dma_wait3A_153 = arith.constant 7 : i32
    %dma_wait3A_154 = arith.constant 384 : i32
    %dma_wait3A_155 = arith.constant 0 : i32
    %dma_wait3A_156 = tpu.memref_slice %arg6[%dma_wait3A_154, %dma_wait3A_155] : memref<512x128xf32, #tpu.memory_space<vmem>> -> memref<128x128xf32, #tpu.memory_space<vmem>>
    %dma_wait3A_157 = arith.constant 0 : i32
    %dma_wait3A_158 = tpu.memref_slice %arg5[%dma_wait3A_153, %dma_wait3A_157] : memref<8x128xi32, #tpu.memory_space<vmem>> -> memref<1x128xi32, #tpu.memory_space<vmem>>
    %dma_wait3A_159 = tpu.memref_squeeze %dma_wait3A_158 : memref<1x128xi32, #tpu.memory_space<vmem>> -> memref<128xi32, #tpu.memory_space<vmem>>
    %dma_wait3A_160 = arith.constant 0 : i32
    %dma_wait3A_161 = arith.constant 0 : i32
    %dma_wait3A_162 = tpu.memref_slice %arg2[%dma_wait3A_160, %dma_wait3A_161] : memref<1024x128xf32, #tpu.memory_space<hbm>> -> memref<1024x128xf32, #tpu.memory_space<hbm>>
    tpu.wait_indirect_dma semaphore(%arg7 : memref<!tpu.dma_semaphore, #tpu.memory_space<semaphore_mem>>) src(%dma_wait3A_162 : memref<1024x128xf32, #tpu.memory_space<hbm>>) dst(%dma_wait3A_156 : memref<128x128xf32, #tpu.memory_space<vmem>>)
    %add3A_163 = arith.constant 512 : i32
    %add3A_164 = arith.addi %mul3A_2, %add3A_163 : i32
    "tpu.region"() ({
      %run_scoped3A = tpu.sem_alloc : memref<!tpu.dma_semaphore, #tpu.memory_space<semaphore_mem>>
      %dma_start3A_165 = arith.constant 0 : i32
      %dma_start3A_166 = tpu.memref_slice %arg4[%add3A_164, %dma_start3A_165] : memref<32768x128xf32, #tpu.memory_space<hbm>> -> memref<512x128xf32, #tpu.memory_space<hbm>>
      %dma_start3A_167 = arith.constant 0 : i32
      %dma_start3A_168 = tpu.memref_slice %arg4[%add3A_164, %dma_start3A_167] : memref<32768x128xf32, #tpu.memory_space<hbm>> -> memref<512x128xf32, #tpu.memory_space<hbm>>
      tpu.enqueue_dma source(%arg6 : memref<512x128xf32, #tpu.memory_space<vmem>>) target(%dma_start3A_168 : memref<512x128xf32, #tpu.memory_space<hbm>>) target_semaphore(%run_scoped3A : memref<!tpu.dma_semaphore, #tpu.memory_space<semaphore_mem>>)
      %dma_wait3A_169 = arith.constant 0 : i32
      %dma_wait3A_170 = tpu.memref_slice %arg4[%add3A_164, %dma_wait3A_169] : memref<32768x128xf32, #tpu.memory_space<hbm>> -> memref<512x128xf32, #tpu.memory_space<hbm>>
      %dma_wait3A_171 = arith.constant 0 : i32
      %dma_wait3A_172 = tpu.memref_slice %arg4[%add3A_164, %dma_wait3A_171] : memref<32768x128xf32, #tpu.memory_space<hbm>> -> memref<512x128xf32, #tpu.memory_space<hbm>>
      tpu.wait_dma2 semaphore(%run_scoped3A : memref<!tpu.dma_semaphore, #tpu.memory_space<semaphore_mem>>) src(%arg6 : memref<512x128xf32, #tpu.memory_space<vmem>>) dst(%dma_wait3A_172 : memref<512x128xf32, #tpu.memory_space<hbm>>)
      tpu.yield
    }) : () -> ()
    return
  }
}

module attributes {stable_mosaic.version = 14 : i64} {
  func.func @_vq_body(%arg0: i32, %arg1: memref<4096x64xf32, #tpu.memory_space<vmem>>, %arg2: memref<1x1024xf32, #tpu.memory_space<vmem>>, %arg3: memref<1024x64xf32, #tpu.memory_space<vmem>>, %arg4: memref<32x128xi32, #tpu.memory_space<vmem>>, %arg5: memref<1x1xf32, #tpu.memory_space<smem>>) attributes {dimension_semantics = [#tpu.dimension_semantics<arbitrary>], iteration_bounds = array<i64: 8>, scalar_prefetch = 0 : i64, scratch_operands = 0 : i64, tpu.core_type = #tpu.core_type<tc>, window_params = [{transform_indices = @transform_0, window_bounds = array<i64: 4096, 64>}, {pipeline_mode = #tpu.pipeline_mode<synchronous>, transform_indices = @transform_1, window_bounds = array<i64: 1, 1024>}, {pipeline_mode = #tpu.pipeline_mode<synchronous>, transform_indices = @transform_2, window_bounds = array<i64: 1024, 64>}, {transform_indices = @transform_3, window_bounds = array<i64: 32, 128>}, {transform_indices = @transform_4, window_bounds = array<i64: 1, 1>}]} {
    %get3A = arith.constant 0 : index
    %get3A_0 = arith.constant 0 : index
    %get3A_1 = vector.load %arg1[%get3A, %get3A_0] : memref<4096x64xf32, #tpu.memory_space<vmem>>, vector<4096x64xf32>
    %get3A_2 = arith.constant 0 : index
    %get3A_3 = arith.constant 0 : index
    %get3A_4 = vector.load %arg3[%get3A_2, %get3A_3] : memref<1024x64xf32, #tpu.memory_space<vmem>>, vector<1024x64xf32>
    %add3A = arith.addf %get3A_4, %get3A_4 : vector<1024x64xf32>
    %dot_general3A = arith.constant dense<0.000000e+00> : vector<4096x1024xf32>
    %dot_general3A_5 = tpu.matmul %get3A_1, %add3A, %dot_general3A {dimension_numbers = #tpu.dot_dimension_numbers<[1], [1], [0], [0], [0, 0, 1, 0], [], []>, transpose_lhs_hint = false} : vector<4096x64xf32>, vector<1024x64xf32>, vector<4096x1024xf32> -> vector<4096x1024xf32>
    %mul3A = arith.mulf %get3A_1, %get3A_1 : vector<4096x64xf32>
    %reduce_sum3A = arith.constant dense<0.000000e+00> : vector<4096xf32>
    %reduce_sum3A_6 = vector.multi_reduction <add>, %mul3A, %reduce_sum3A [1] : vector<4096x64xf32> to vector<4096xf32>
    %broadcast_in_dim3A = vector.shape_cast %reduce_sum3A_6 : vector<4096xf32> to vector<4096x1xf32>
    %get3A_7 = arith.constant 0 : index
    %get3A_8 = arith.constant 0 : index
    %get3A_9 = vector.load %arg2[%get3A_7, %get3A_8] : memref<1x1024xf32, #tpu.memory_space<vmem>>, vector<1x1024xf32>
    %add3A_10 = vector.broadcast %broadcast_in_dim3A : vector<4096x1xf32> to vector<4096x1024xf32>
    %add3A_11 = vector.broadcast %get3A_9 : vector<1x1024xf32> to vector<4096x1024xf32>
    %add3A_12 = arith.addf %add3A_10, %add3A_11 : vector<4096x1024xf32>
    %sub3A = arith.subf %add3A_12, %dot_general3A_5 : vector<4096x1024xf32>
    %iota3A = tpu.iota {dimensions = array<i32: 1>} : vector<1x128xi32>
    %convert_element_type3A = arith.sitofp %iota3A : vector<1x128xi32> to vector<1x128xf32>
    %slice3A = vector.extract_strided_slice %sub3A {offsets = [0, 0], sizes = [4096, 128], strides = [1, 1]} : vector<4096x1024xf32> to vector<4096x128xf32>
    %add3A_13 = arith.constant 0.000000e+00 : f32
    %add3A_14 = vector.broadcast %add3A_13 : f32 to vector<1x128xf32>
    %add3A_15 = arith.addf %convert_element_type3A, %add3A_14 : vector<1x128xf32>
    %slice3A_16 = vector.extract_strided_slice %sub3A {offsets = [0, 128], sizes = [4096, 128], strides = [1, 1]} : vector<4096x1024xf32> to vector<4096x128xf32>
    %add3A_17 = arith.constant 1.280000e+02 : f32
    %add3A_18 = vector.broadcast %add3A_17 : f32 to vector<1x128xf32>
    %add3A_19 = arith.addf %convert_element_type3A, %add3A_18 : vector<1x128xf32>
    %slice3A_20 = vector.extract_strided_slice %sub3A {offsets = [0, 256], sizes = [4096, 128], strides = [1, 1]} : vector<4096x1024xf32> to vector<4096x128xf32>
    %add3A_21 = arith.constant 2.560000e+02 : f32
    %add3A_22 = vector.broadcast %add3A_21 : f32 to vector<1x128xf32>
    %add3A_23 = arith.addf %convert_element_type3A, %add3A_22 : vector<1x128xf32>
    %slice3A_24 = vector.extract_strided_slice %sub3A {offsets = [0, 384], sizes = [4096, 128], strides = [1, 1]} : vector<4096x1024xf32> to vector<4096x128xf32>
    %add3A_25 = arith.constant 3.840000e+02 : f32
    %add3A_26 = vector.broadcast %add3A_25 : f32 to vector<1x128xf32>
    %add3A_27 = arith.addf %convert_element_type3A, %add3A_26 : vector<1x128xf32>
    %slice3A_28 = vector.extract_strided_slice %sub3A {offsets = [0, 512], sizes = [4096, 128], strides = [1, 1]} : vector<4096x1024xf32> to vector<4096x128xf32>
    %add3A_29 = arith.constant 5.120000e+02 : f32
    %add3A_30 = vector.broadcast %add3A_29 : f32 to vector<1x128xf32>
    %add3A_31 = arith.addf %convert_element_type3A, %add3A_30 : vector<1x128xf32>
    %slice3A_32 = vector.extract_strided_slice %sub3A {offsets = [0, 640], sizes = [4096, 128], strides = [1, 1]} : vector<4096x1024xf32> to vector<4096x128xf32>
    %add3A_33 = arith.constant 6.400000e+02 : f32
    %add3A_34 = vector.broadcast %add3A_33 : f32 to vector<1x128xf32>
    %add3A_35 = arith.addf %convert_element_type3A, %add3A_34 : vector<1x128xf32>
    %slice3A_36 = vector.extract_strided_slice %sub3A {offsets = [0, 768], sizes = [4096, 128], strides = [1, 1]} : vector<4096x1024xf32> to vector<4096x128xf32>
    %add3A_37 = arith.constant 7.680000e+02 : f32
    %add3A_38 = vector.broadcast %add3A_37 : f32 to vector<1x128xf32>
    %add3A_39 = arith.addf %convert_element_type3A, %add3A_38 : vector<1x128xf32>
    %slice3A_40 = vector.extract_strided_slice %sub3A {offsets = [0, 896], sizes = [4096, 128], strides = [1, 1]} : vector<4096x1024xf32> to vector<4096x128xf32>
    %add3A_41 = arith.constant 8.960000e+02 : f32
    %add3A_42 = vector.broadcast %add3A_41 : f32 to vector<1x128xf32>
    %add3A_43 = arith.addf %convert_element_type3A, %add3A_42 : vector<1x128xf32>
    %lt3A = arith.cmpf olt, %slice3A_16, %slice3A : vector<4096x128xf32>
    %min3A = arith.minimumf %slice3A, %slice3A_16 : vector<4096x128xf32>
    %broadcast_in_dim3A_44 = vector.shape_cast %add3A_19 : vector<1x128xf32> to vector<1x128xf32>
    %broadcast_in_dim3A_45 = vector.broadcast %broadcast_in_dim3A_44 : vector<1x128xf32> to vector<4096x128xf32>
    %broadcast_in_dim3A_46 = vector.shape_cast %add3A_15 : vector<1x128xf32> to vector<1x128xf32>
    %broadcast_in_dim3A_47 = vector.broadcast %broadcast_in_dim3A_46 : vector<1x128xf32> to vector<4096x128xf32>
    %select_n3A = arith.select %lt3A, %broadcast_in_dim3A_45, %broadcast_in_dim3A_47 : vector<4096x128xi1>, vector<4096x128xf32>
    %lt3A_48 = arith.cmpf olt, %slice3A_24, %slice3A_20 : vector<4096x128xf32>
    %min3A_49 = arith.minimumf %slice3A_20, %slice3A_24 : vector<4096x128xf32>
    %broadcast_in_dim3A_50 = vector.shape_cast %add3A_27 : vector<1x128xf32> to vector<1x128xf32>
    %broadcast_in_dim3A_51 = vector.broadcast %broadcast_in_dim3A_50 : vector<1x128xf32> to vector<4096x128xf32>
    %broadcast_in_dim3A_52 = vector.shape_cast %add3A_23 : vector<1x128xf32> to vector<1x128xf32>
    %broadcast_in_dim3A_53 = vector.broadcast %broadcast_in_dim3A_52 : vector<1x128xf32> to vector<4096x128xf32>
    %select_n3A_54 = arith.select %lt3A_48, %broadcast_in_dim3A_51, %broadcast_in_dim3A_53 : vector<4096x128xi1>, vector<4096x128xf32>
    %lt3A_55 = arith.cmpf olt, %slice3A_32, %slice3A_28 : vector<4096x128xf32>
    %min3A_56 = arith.minimumf %slice3A_28, %slice3A_32 : vector<4096x128xf32>
    %broadcast_in_dim3A_57 = vector.shape_cast %add3A_35 : vector<1x128xf32> to vector<1x128xf32>
    %broadcast_in_dim3A_58 = vector.broadcast %broadcast_in_dim3A_57 : vector<1x128xf32> to vector<4096x128xf32>
    %broadcast_in_dim3A_59 = vector.shape_cast %add3A_31 : vector<1x128xf32> to vector<1x128xf32>
    %broadcast_in_dim3A_60 = vector.broadcast %broadcast_in_dim3A_59 : vector<1x128xf32> to vector<4096x128xf32>
    %select_n3A_61 = arith.select %lt3A_55, %broadcast_in_dim3A_58, %broadcast_in_dim3A_60 : vector<4096x128xi1>, vector<4096x128xf32>
    %lt3A_62 = arith.cmpf olt, %slice3A_40, %slice3A_36 : vector<4096x128xf32>
    %min3A_63 = arith.minimumf %slice3A_36, %slice3A_40 : vector<4096x128xf32>
    %broadcast_in_dim3A_64 = vector.shape_cast %add3A_43 : vector<1x128xf32> to vector<1x128xf32>
    %broadcast_in_dim3A_65 = vector.broadcast %broadcast_in_dim3A_64 : vector<1x128xf32> to vector<4096x128xf32>
    %broadcast_in_dim3A_66 = vector.shape_cast %add3A_39 : vector<1x128xf32> to vector<1x128xf32>
    %broadcast_in_dim3A_67 = vector.broadcast %broadcast_in_dim3A_66 : vector<1x128xf32> to vector<4096x128xf32>
    %select_n3A_68 = arith.select %lt3A_62, %broadcast_in_dim3A_65, %broadcast_in_dim3A_67 : vector<4096x128xi1>, vector<4096x128xf32>
    %lt3A_69 = arith.cmpf olt, %min3A_49, %min3A : vector<4096x128xf32>
    %min3A_70 = arith.minimumf %min3A, %min3A_49 : vector<4096x128xf32>
    %select_n3A_71 = arith.select %lt3A_69, %select_n3A_54, %select_n3A : vector<4096x128xi1>, vector<4096x128xf32>
    %lt3A_72 = arith.cmpf olt, %min3A_63, %min3A_56 : vector<4096x128xf32>
    %min3A_73 = arith.minimumf %min3A_56, %min3A_63 : vector<4096x128xf32>
    %select_n3A_74 = arith.select %lt3A_72, %select_n3A_68, %select_n3A_61 : vector<4096x128xi1>, vector<4096x128xf32>
    %lt3A_75 = arith.cmpf olt, %min3A_73, %min3A_70 : vector<4096x128xf32>
    %min3A_76 = arith.minimumf %min3A_70, %min3A_73 : vector<4096x128xf32>
    %select_n3A_77 = arith.select %lt3A_75, %select_n3A_74, %select_n3A_71 : vector<4096x128xi1>, vector<4096x128xf32>
    %reduce_min3A = arith.constant dense<0x7F800000> : vector<4096xf32>
    %reduce_min3A_78 = vector.multi_reduction <minimumf>, %min3A_76, %reduce_min3A [1] : vector<4096x128xf32> to vector<4096xf32>
    %broadcast_in_dim3A_79 = vector.shape_cast %reduce_min3A_78 : vector<4096xf32> to vector<4096x1xf32>
    %eq3A = vector.broadcast %broadcast_in_dim3A_79 : vector<4096x1xf32> to vector<4096x128xf32>
    %eq3A_80 = arith.cmpf oeq, %min3A_76, %eq3A : vector<4096x128xf32>
    %jit3A = arith.constant 1.024000e+03 : f32
    %broadcast_in_dim3A_81 = vector.broadcast %jit3A : f32 to vector<4096x128xf32>
    %select_n3A_82 = arith.select %eq3A_80, %select_n3A_77, %broadcast_in_dim3A_81 : vector<4096x128xi1>, vector<4096x128xf32>
    %reduce_min3A_83 = arith.constant dense<0x7F800000> : vector<4096xf32>
    %reduce_min3A_84 = vector.multi_reduction <minimumf>, %select_n3A_82, %reduce_min3A_83 [1] : vector<4096x128xf32> to vector<4096xf32>
    %convert_element_type3A_85 = arith.fptosi %reduce_min3A_84 : vector<4096xf32> to vector<4096xi32>
    %reshape3A = vector.shape_cast %convert_element_type3A_85 : vector<4096xi32> to vector<32x128xi32>
    %swap3A = arith.constant 0 : index
    %swap3A_86 = arith.constant 0 : index
    %swap3A_87 = vector.load %arg4[%swap3A, %swap3A_86] : memref<32x128xi32, #tpu.memory_space<vmem>>, vector<32x128xi32>
    tpu.vector_store %arg4[%swap3A, %swap3A_86], %reshape3A {strides = array<i32>} : memref<32x128xi32, #tpu.memory_space<vmem>>, vector<32x128xi32>,
    %eq3A_88 = arith.constant 0 : i32
    %eq3A_89 = arith.cmpi eq, %arg0, %eq3A_88 : i32
    %convert_element_type3A_90 = arith.extui %eq3A_89 : i1 to i32
    %cond3A = arith.constant 0 : i32
    %cond3A_91 = arith.cmpi ne, %convert_element_type3A_90, %cond3A : i32
    scf.if %cond3A_91 {
      %swap3A_109 = arith.constant 0.000000e+00 : f32
      %swap3A_110 = arith.constant 0 : index
      %swap3A_111 = arith.constant 0 : index
      %swap3A_112 = memref.load %arg5[%swap3A_110, %swap3A_111] : memref<1x1xf32, #tpu.memory_space<smem>>
      memref.store %swap3A_109, %arg5[%swap3A_110, %swap3A_111] : memref<1x1xf32, #tpu.memory_space<smem>>
    } else {
    }
    %get3A_92 = arith.constant 0 : index
    %get3A_93 = arith.constant 0 : index
    %get3A_94 = memref.load %arg5[%get3A_92, %get3A_93] : memref<1x1xf32, #tpu.memory_space<smem>>
    %reduce_sum3A_95 = vector.shape_cast %broadcast_in_dim3A_79 : vector<4096x1xf32> to vector<1x4096x1xf32>
    %reduce_sum3A_96 = arith.constant dense<0.000000e+00> : vector<1xf32>
    %reduce_sum3A_97 = vector.multi_reduction <add>, %reduce_sum3A_95, %reduce_sum3A_96 [1, 2] : vector<1x4096x1xf32> to vector<1xf32>
    %reduce_sum3A_98 = vector.shape_cast %reduce_sum3A_97 : vector<1xf32> to vector<1x1x1xf32>
    %reduce_sum3A_99 = vector.extract %reduce_sum3A_98[0, 0, 0] : f32 from vector<1x1x1xf32>
    %add3A_100 = arith.addf %get3A_94, %reduce_sum3A_99 : f32
    %swap3A_101 = arith.constant 0 : index
    %swap3A_102 = arith.constant 0 : index
    %swap3A_103 = memref.load %arg5[%swap3A_101, %swap3A_102] : memref<1x1xf32, #tpu.memory_space<smem>>
    memref.store %add3A_100, %arg5[%swap3A_101, %swap3A_102] : memref<1x1xf32, #tpu.memory_space<smem>>
    %eq3A_104 = arith.constant 7 : i32
    %eq3A_105 = arith.cmpi eq, %arg0, %eq3A_104 : i32
    %convert_element_type3A_106 = arith.extui %eq3A_105 : i1 to i32
    %cond3A_107 = arith.constant 0 : i32
    %cond3A_108 = arith.cmpi ne, %convert_element_type3A_106, %cond3A_107 : i32
    scf.if %cond3A_108 {
      %get3A_109 = arith.constant 0 : index
      %get3A_110 = arith.constant 0 : index
      %get3A_111 = memref.load %arg5[%get3A_109, %get3A_110] : memref<1x1xf32, #tpu.memory_space<smem>>
      %mul3A_112 = arith.constant 5.96046448E-7 : f32
      %mul3A_113 = arith.mulf %get3A_111, %mul3A_112 : f32
      %swap3A_114 = arith.constant 0 : index
      %swap3A_115 = arith.constant 0 : index
      %swap3A_116 = memref.load %arg5[%swap3A_114, %swap3A_115] : memref<1x1xf32, #tpu.memory_space<smem>>
      memref.store %mul3A_113, %arg5[%swap3A_114, %swap3A_115] : memref<1x1xf32, #tpu.memory_space<smem>>
    } else {
    }
    return
  }
  func.func @transform_0(%arg0: i32) -> (i32, i32) {
    %c0_i32 = arith.constant 0 : i32
    %c0_i32_0 = arith.constant 0 : i32
    return %arg0, %c0_i32 : i32, i32
  }
  func.func @transform_1(%arg0: i32) -> (i32, i32) {
    %c0_i32 = arith.constant 0 : i32
    %c0_i32_0 = arith.constant 0 : i32
    %c0_i32_1 = arith.constant 0 : i32
    return %c0_i32, %c0_i32_0 : i32, i32
  }
  func.func @transform_2(%arg0: i32) -> (i32, i32) {
    %c0_i32 = arith.constant 0 : i32
    %c0_i32_0 = arith.constant 0 : i32
    %c0_i32_1 = arith.constant 0 : i32
    return %c0_i32, %c0_i32_0 : i32, i32
  }
  func.func @transform_3(%arg0: i32) -> (i32, i32) {
    %c0_i32 = arith.constant 0 : i32
    %c0_i32_0 = arith.constant 0 : i32
    return %arg0, %c0_i32 : i32, i32
  }
  func.func @transform_4(%arg0: i32) -> (i32, i32) {
    %c0_i32 = arith.constant 0 : i32
    %c0_i32_0 = arith.constant 0 : i32
    %c0_i32_1 = arith.constant 0 : i32
    return %c0_i32, %c0_i32_0 : i32, i32
  }
}

</mosaic_0001>

<sc_bundles>
// kernel: kernel.4.cloned.1.call-start
scs
__scs_entry_jumppad:
0x0: {  	(pc) =	sbr.rel $0x88, $3  }
0x1: {  	(tag) =	ssettag $0x0;
	lr =	simm.s32 $0x1  }
0x2: {  	[smem:$0x3F9F] =	sst lr;
	_ =	strace $0xD0000000  }
0x3: {  	_ = 	snop  }
0x4: {  	_ = 	snop  }
0x5: {  	_ = 	snop  }
0x6: {  	_ = 	snop  }
0x7: {  	_ = 	snop  }
__scs_overlays_trampoline_lowered:
0x8: {  	[smem:$0x3FAE] =	sst s0  }
0x9: {  	[smem:$0x3FAF] =	sst s1  }
0xa: {  	[smem:$0x3FB0] =	sst s2  }
0xb: {  	[smem:$0x3FB1] =	sst s3  }
0xc: {  	[smem:$0x3FB2] =	sst s4  }
0xd: {  	[smem:$0x3FB3] =	sst s5  }
0xe: {  	[smem:$0x3FB4] =	sst s6  }
0xf: {  	[smem:$0x3FB5] =	sst s7  }
0x10: {  	[smem:$0x3FB6] =	sst s8  }
0x11: {  	[smem:$0x3FB7] =	sst s9;
	s0 =	simm.s32 @!p0 $0x0  }
0x12: {  	s1 =	sld [smem:$0x3F9D];
	s0 =	simm.s32 @p0 $0x1  }
0x13: {  	[smem:$0x3FB8] =	sst s0;
	s0 =	simm.s32 @!p1 $0x0  }
0x14: {  	s2 =	sld [smem:$0x3F9C];
	s0 =	simm.s32 @p1 $0x1  }
0x15: {  	[smem:$0x3FB9] =	sst s0;
	s0 =	simm.s32 @!p2 $0x0  }
0x16: {  	s3 =	sld [smem:$0x3FDB];
	s0 =	simm.s32 @p2 $0x1  }
0x17: {  	s4 =	simm.s32 $0x1BF5;
	[smem:$0x3FBB] =	sst s0  }
0x18: {  	s0 =	sld [smem:$0x3F9E];
	_ =	swait.ge [sflag:s4], $0x0  }
0x19: {  	s7 =	sld [smem:$0x3F9F]  }
0x1a: {  	s8 =	sadd.s32 $0xFFFFE003, lr  }
0x1b: {  	s9 =	sadd.s32 $0xFFFFFEF7, lr;
	s5 =	simm.s32 $0xFFFFFFFF;
	p2 =	slt.u32 s8, $0xFFFFF086  }
0x1c: {  	p1 =	slt.u32 s9, $0xF7A;
	s5 =	simm.s32 @!p2 $0x0  }
0x1d: {  	s5 =	simm.s32 @p1 $0x1;
	p0 =	seq.s32 s7, s2  }
0x1e: {  	s7 =	smul.u32 @!p0 $0xF7A, s2;
	p2 =	seq.s32 @!p0 s5, $0x0  }
0x1f: {  	s9 =	smul.u32 $0xF7A, s1;
	s8 =	simm.s32 @!p0 $0x1BF5;
	p2 =	por !p2, p0  }
0x20: {  	[sflag:s8] =	ssyncset.s32 @!p0 $0xFFFFF086;
	s6 =	sadd.s32 @!p0 s3, s7;
	s7 =	simm.s32 @!p0 $0x108  }
0x21: {  	s3 =	sadd.s32 s3, s9;
	s6 =	sadd.s32 @!p0 $0x88, s6;
	s7 =	simm.s32 @p2 $0x1082  }
0x22: {  	[simem:s7], [sflag:s8] =	dma.local @!p0 [hbm:s6], $0xF7A  }
0x23: {  	s9 =	sor.u32 $0xD0000000, s2;
	s6 =	simm.s32 $0x108;
	_ =	swait.ge @!p0 [sflag:s8], $0x0  }
0x24: {  	s3 =	sadd.s32 $0x88, s3;
	s6 =	simm.s32 @!p1 $0x1082;
	[sflag:s4] =	ssyncset.s32 $0xFFFFF086  }
0x25: {  	[simem:s6], [sflag:s4] =	dma.local [hbm:s3], $0xF7A  }
0x26: {  	[smem:$0x3F9F] =	sst s1;
	(tag) =	ssettag s2;
	_ =	strace s9  }
0x27: {  	s1 =	sld [smem:$0x3FAF]  }
0x28: {  	s2 =	sld [smem:$0x3FB0]  }
0x29: {  	s4 =	sld [smem:$0x3FB2]  }
0x2a: {  	p0 =	seq.s32 s5, $0x0;
	s5 =	sld [smem:$0x3FB3]  }
0x2b: {  	s6 =	sld [smem:$0x3FB4]  }
0x2c: {  	s7 =	sld [smem:$0x3FB5]  }
0x2d: {  	s3 =	simm.s32 $0x108;
	s8 =	sld [smem:$0x3FB6]  }
0x2e: {  	s3 =	simm.s32 @!p0 $0x1082;
	s9 =	sld [smem:$0x3FB7]  }
0x2f: {  	lr =	sadd.s32 s0, s3;
	s0 =	sld [smem:$0x3FAE]  }
0x30: {  	s3 =	sld [smem:$0x3FB1]  }
0x31: {  	[smem:$0x3FBA] =	sst s10  }
0x32: {  	s10 =	sld [smem:$0x3FB8];
	_ =	sdelay $0x3  }
0x33: {  	p0 =	seq.s32 s10, $0x1;
	s10 =	sld [smem:$0x3FBA];
	_ =	sdelay $0x3  }
0x34: {  	[smem:$0x3FBA] =	sst s10  }
0x35: {  	s10 =	sld [smem:$0x3FB9];
	_ =	sdelay $0x3  }
0x36: {  	p1 =	seq.s32 s10, $0x1;
	s10 =	sld [smem:$0x3FBA];
	_ =	sdelay $0x3  }
0x37: {  	[smem:$0x3FBA] =	sst s10  }
0x38: {  	s10 =	sld [smem:$0x3FBB]  }
0x39: {  	_ = 	snop;
	(pc) =	sbr.ind lr, $3  }
0x3a: {  	_ = 	snop  }
0x3b: {  	_ = 	snop  }
0x3c: {  	p2 =	seq.s32 s10, $0x1;
	s10 =	sld [smem:$0x3FBA]  }
0x3d: {  	_ =	shalt  }
0x3e: {  	_ =	shalt  }
0x3f: {  	_ =	shalt  }
0x40: {  	_ =	shalt  }
0x41: {  	_ =	shalt  }
0x42: {  	_ =	shalt  }
0x43: {  	_ =	shalt  }
0x44: {  	_ =	shalt  }
0x45: {  	_ =	shalt  }
0x46: {  	_ =	shalt  }
0x47: {  	_ =	shalt  }
0x48: {  	_ =	shalt  }
0x49: {  	_ =	shalt  }
0x4a: {  	_ =	shalt  }
0x4b: {  	_ =	shalt  }
0x4c: {  	_ =	shalt  }
0x4d: {  	_ =	shalt  }
0x4e: {  	_ =	shalt  }
0x4f: {  	_ =	shalt  }
0x50: {  	_ =	shalt  }
0x51: {  	_ =	shalt  }
0x52: {  	_ =	shalt  }
0x53: {  	_ =	shalt  }
0x54: {  	_ =	shalt  }
0x55: {  	_ =	shalt  }
0x56: {  	_ =	shalt  }
0x57: {  	_ =	shalt  }
0x58: {  	_ =	shalt  }
0x59: {  	_ =	shalt  }
0x5a: {  	_ =	shalt  }
0x5b: {  	_ =	shalt  }
0x5c: {  	_ =	shalt  }
0x5d: {  	_ =	shalt  }
0x5e: {  	_ =	shalt  }
0x5f: {  	_ =	shalt  }
0x60: {  	_ =	shalt  }
0x61: {  	_ =	shalt  }
0x62: {  	_ =	shalt  }
0x63: {  	_ =	shalt  }
0x64: {  	_ =	shalt  }
0x65: {  	_ =	shalt  }
0x66: {  	_ =	shalt  }
0x67: {  	_ =	shalt  }
0x68: {  	_ =	shalt  }
0x69: {  	_ =	shalt  }
0x6a: {  	_ =	shalt  }
0x6b: {  	_ =	shalt  }
0x6c: {  	_ =	shalt  }
0x6d: {  	_ =	shalt  }
0x6e: {  	_ =	shalt  }
0x6f: {  	_ =	shalt  }
0x70: {  	_ =	shalt  }
0x71: {  	_ =	shalt  }
0x72: {  	_ =	shalt  }
0x73: {  	_ =	shalt  }
0x74: {  	_ =	shalt  }
0x75: {  	_ =	shalt  }
0x76: {  	_ =	shalt  }
0x77: {  	_ =	shalt  }
0x78: {  	_ =	shalt  }
0x79: {  	_ =	shalt  }
0x7a: {  	_ =	shalt  }
0x7b: {  	_ =	shalt  }
0x7c: {  	_ =	shalt  }
0x7d: {  	_ =	shalt  }
0x7e: {  	_ =	shalt  }
0x7f: {  	_ =	shalt  }
0x80: {  	_ =	shalt  }
0x81: {  	_ =	shalt  }
0x82: {  	_ =	shalt  }
0x83: {  	_ =	shalt  }
0x84: {  	_ =	shalt  }
0x85: {  	_ =	shalt  }
0x86: {  	_ =	shalt  }
0x87: {  	_ =	shalt  }
.Lfunc_end0:
.L_simem_size_0:
called_computation_lowered:
.L_overlay_start_0:
0x88: {  	s2 =	sld [smem:$0x3FD9]  }
0x89: {  	s3 =	sld [smem:$0x3FFE];
	_ =	sdelay $0x1  }
0x8a: {  	s1 =	srdreg.scid  }
0x8b: {  	s0 =	sand.u32 $0x1, s1  }
0x8c: {  	s14 =	sshll.u32 s0, $0xA;
	s2 =	sadd.s32 s3, s2  }
0x8d: {  	s2 =	sadd.s32 s2, s14  }
0x8e: {  	[smem:$0x3FC6] =	sst s2  }
0x8f: {  	_ = 	snop  }
0x90: {  	s2 =	sld [smem:$0x3FD0];
	_ =	sdelay $0x2  }
0x91: {  	s15 =	simm.s32 $0xA;
	s4 =	simm.s32 $0x10  }
0x92: {  	[smem:s4], [sflag:s15] =	dma.local [hbm:s2], $0x1  }
0x93: {  	_ =	swait.eq [sflag:s15], $0x1  }
0x94: {  	[sflag:s15] =	ssyncset.done $0x0  }
0x95: {  	s16 =	sld [smem:$0x10];
	[sflag:s15] =	ssyncadd.s32 $0xFFFFFFFF  }
0x96: {  	s17 =	sld [smem:$0x12];
	(tm) =	ssettm $0x1  }
0x97: {  	s18 =	sld [smem:$0x3FFB];
	_ =	sdelay $0x3  }
0x98: {  	_ =	strace s18  }
0x99: {  	s4 =	sld [smem:$0x3FFC];
	_ =	sdelay $0x3  }
0x9a: {  	_ =	strace s4  }
0x9b: {  	s4 =	sld [smem:$0x3FFD];
	_ =	sdelay $0x3  }
0x9c: {  	_ =	strace s4  }
0x9d: {  	_ =	strace $0x8FFFFFFF  }
0x9e: {  	s19 =	sld [smem:$0x3FDB];
	_ =	sdelay $0x1  }
0x9f: {  	s5 =	simm.s32 $_scs_section_size  }
0xa0: {  	s6 =	simm.s32 $_size__tile_overlayer_lowered;
	s7 =	simm.s32 $_tile_overlayer_lowered  }
0xa1: {  	s22 =	simm.s32 $0x1BFF;
	s21 =	sshll.u32 s7, $0x1;
	s4 =	sadd.s32 s5, s19  }
0xa2: {  	s8 =	simm.s32 $0x0;
	s20 =	sshll.u32 s6, $0x1;
	s6 =	sadd.s32 s21, s4  }
0xa3: {  	[timem:s8], [sflag:s22] =	dma.local [hbm:s6], s20  }
0xa4: {  	_ =	swait.ge [sflag:s22], s20  }
0xa5: {  	s5 =	ssub.s32 $0x0, s20;
	[sflag:s22] =	ssyncset.done $0x0  }
0xa6: {  	[sflag:s22] =	ssyncadd.s32 s5;
	_ =	sdelay $0x1  }
0xa7: {  	s23 =	simm.s32 $0x1B8B  }
0xa8: {  	_ =	swait.ge [sflag:s23], $0x1  }
0xa9: {  	[sflag:s23] =	ssyncset.done $0x0  }
0xaa: {  	s25 =	simm.s32 $0x1B8E;
	s24 =	sld [smem:$0x3FFE];
	[sflag:s23] =	ssyncadd.s32 $0xFFFFFFFF  }
0xab: {  	s26 =	simm.s32 $execute0_lowered;
	[smem:$0x3FD2] =	sst s25  }
0xac: {  	s6 =	sshll.u32 s26, $0x1;
	_ =	strace $0x80000046;
	[dreg:$0x1] =	wrdreg $0xFFFFFFFF  }
0xad: {  	s28 =	simm.s32 $_size_execute0_lowered;
	s4 =	sadd.s32 s4, s6;
	[dreg:$0x0] =	wrdreg $0x0  }
0xae: {  	s6 =	sshll.u32 s28, $0x1;
	[dreg:$0x2] =	wrdreg s4  }
0xaf: {  	[dreg:$0x3] =	wrdreg s6  }
0xb0: {  	[dreg:$0x4] =	wrdreg $0xC0  }
0xb1: {  	_ =	task [dreg:s8], $0x5FFFF  }
0xb2: {  	[dreg:$0x1] =	wrdreg $0xFFFFFFFF  }
0xb3: {  	[dreg:$0x0] =	wrdreg $0x60  }
0xb4: {  	[dreg:$0x2] =	wrdreg s16  }
0xb5: {  	[dreg:$0x3] =	wrdreg s17  }
0xb6: {  	[dreg:$0x4] =	wrdreg s24  }
0xb7: {  	[dreg:$0x5] =	wrdreg $0x9  }
0xb8: {  	_ =	task.clear_ibuf [dreg:s8], $0x6FFFF;
	_ =	strace $0x90000046  }
0xb9: {  	s29 =	simm.s32 $0x9;
	_ =	strace $0x80000048  }
0xba: {  	_ =	swait.ge [sflag:s29], $0x1  }
0xbb: {  	[sflag:s29] =	ssyncadd.s32 $0xFFFFFFFF  }
0xbc: {  	_ =	strace $0x90000048  }
0xbd: {  	_ =	sfence  }
0xbe: {  	s30 =	sld [smem:$0x0];
	_ =	sdelay $0x2  }
0xbf: {  	s31 =	sshll.u32 s1, $0xD;
	s1 =	sshrl.u32 s1, $0x2  }
0xc0: {  	s3 =	sand.u32 $0x4000, s31;
	s1 =	sadd.s32 s1, s30  }
0xc1: {  	s0 =	sor.u32 s3, s0;
	s1 =	sshll.u32 s1, $0x11  }
0xc2: {  	s0 =	sor.u32 s1, s0  }
0xc3: {  	s0 =	sadd.s32 $0x8F2B, s0  }
0xc4: {  	[sflag:s0] =	ssyncadd.remote.s32 $0x1  }
0xc5: {  	_ =	sfence.sel $0xFFFF  }
0xc6: {  	[dreg:$0x0] =	wrdreg $0xFFFFFFFF;
	(pc) =	sbr.abs _section_cstart, $3  }
0xc7: {  	[dreg:$0x1] =	wrdreg $0xFFFFFFFF  }
0xc8: {  	_ =	task.clear_ibuf [dreg:s8], $0x2FFFF;
	_ =	strace $0x9FFFFFFF  }
0xc9: {  	(tm) =	ssettm $0x7FFFFFFF  }
tec
execute0_lowered:
.L_overlay_start_1:
0x0: {  	(tag) =	ssettag $0x1  }
0x1: {  	s1 =	rddreg [dreg:$0x0];
	s2 =	srdreg.scid  }
0x2: {  	s4 =	rddreg [dreg:$0x1];
	s0 =	stileid.u32;
	s19 =	sand.u32 $0x1, s2  }
0x3: {  	s14 =	rddreg [dreg:$0x2];
	s5 =	sshll.u32 s0, $0xB;
	s6 =	sshll.u32 s19, $0xA  }
0x4: {  	s3 =	simm.s32 $0x0;
	s2 =	rddreg [dreg:$0x3];
	s15 =	sor.u32 s6, s5  }
0x5: {  	[smem:$0x7FF] =	sst s3;
	s5 =	sshrl.u32 s15, $0x3  }
0x6: {  	_ =	strace $0x80000047;
	s5 =	sadd.s32 s4, s5;
	s4 =	simm.s32 $0x2  }
0x7: {  	[tilespmem:s3], [sflag:$0x2] =	stream.linear.gather [hbm4b:s5+s3], $0x400, $0x38;
	[tilespmem:$0x10400] =	vst v63  }
0x8: {  	_ =	swait.ge [sflag:s4], $0x400  }
0x9: {  	[sflag:s4] =	ssyncset.done $0x0  }
0xa: {  	s7 =	simm.s32 $0x400;
	s6 =	simm.s32 $0x80;
	[sflag:s4] =	ssyncadd.s32 $0xFFFFFC00  }
0xb: {  	[tilespmem:s7], [sflag:$0x1] =	stream.indirect.gather [hbm4b:s1+s6], $0x80, s3, s6, $0xb8;
	[tilespmem:$0x10400] =	vst v63  }
0xc: {  	s8 =	simm.s32 $0x4400  }
0xd: {  	[tilespmem:s8], [sflag:$0x1] =	stream.indirect.gather [hbm4b:s1+s6], $0x80, s6, s6, $0xb8;
	[tilespmem:$0x10400] =	vst v63  }
0xe: {  	s9 =	simm.s32 $0x100;
	s10 =	simm.s32 $0x8400  }
0xf: {  	[tilespmem:s10], [sflag:$0x1] =	stream.indirect.gather [hbm4b:s1+s6], $0x80, s9, s6, $0xb8;
	[tilespmem:$0x10400] =	vst v63  }
0x10: {  	s11 =	simm.s32 $0x180;
	s12 =	simm.s32 $0xC400;
	s13 =	simm.s32 $0x1  }
0x11: {  	[tilespmem:s12], [sflag:$0x1] =	stream.indirect.gather [hbm4b:s1+s6], $0x80, s11, s6, $0xb8;
	[tilespmem:$0x10400] =	vst v63  }
0x12: {  	_ =	swait.ge [sflag:s13], $0x4000  }
0x13: {  	[sflag:s13] =	ssyncset.done $0x0  }
0x14: {  	[sflag:s13] =	ssyncadd.s32 $0xFFFFC000  }
0x15: {  	_ =	swait.ge [sflag:s13], $0x4000  }
0x16: {  	[sflag:s13] =	ssyncset.done $0x0  }
0x17: {  	[sflag:s13] =	ssyncadd.s32 $0xFFFFC000  }
0x18: {  	_ =	swait.ge [sflag:s13], $0x4000  }
0x19: {  	[sflag:s13] =	ssyncset.done $0x0  }
0x1a: {  	[sflag:s13] =	ssyncadd.s32 $0xFFFFC000  }
0x1b: {  	s15 =	sshll.u32 s15, $0x4;
	_ =	swait.ge [sflag:s13], $0x4000  }
0x1c: {  	s20 =	sadd.s32 s15, s14;
	[sflag:s13] =	ssyncset.done $0x0  }
0x1d: {  	s14 =	sadd.s32 $0x200, s20;
	[sflag:s13] =	ssyncadd.s32 $0xFFFFC000  }
0x1e: {  	[hbm4b:s14+s3] =	stream.linear.scatter [tilespmem:s7], [sflag:$0x2], $0x10000, $0x38;
	[tilespmem:$0x10400] =	vst v63  }
0x1f: {  	_ =	swait.ge [sflag:s4], $0x10000  }
0x20: {  	[sflag:s4] =	ssyncset.done $0x0  }
0x21: {  	s15 =	simm.s32 $0x200;
	[sflag:s4] =	ssyncadd.s32 $0xFFFF0000  }
0x22: {  	[tilespmem:s7], [sflag:$0x1] =	stream.indirect.gather [hbm4b:s1+s6], $0x80, s15, s6, $0xb8;
	[tilespmem:$0x10400] =	vst v63  }
0x23: {  	s16 =	simm.s32 $0x280  }
0x24: {  	[tilespmem:s8], [sflag:$0x1] =	stream.indirect.gather [hbm4b:s1+s6], $0x80, s16, s6, $0xb8;
	[tilespmem:$0x10400] =	vst v63  }
0x25: {  	s17 =	simm.s32 $0x300  }
0x26: {  	[tilespmem:s10], [sflag:$0x1] =	stream.indirect.gather [hbm4b:s1+s6], $0x80, s17, s6, $0xb8;
	[tilespmem:$0x10400] =	vst v63  }
0x27: {  	s18 =	simm.s32 $0x380  }
0x28: {  	[tilespmem:s12], [sflag:$0x1] =	stream.indirect.gather [hbm4b:s1+s6], $0x80, s18, s6, $0xb8;
	[tilespmem:$0x10400] =	vst v63  }
0x29: {  	_ =	swait.ge [sflag:s13], $0x4000  }
0x2a: {  	[sflag:s13] =	ssyncset.done $0x0  }
0x2b: {  	[sflag:s13] =	ssyncadd.s32 $0xFFFFC000  }
0x2c: {  	_ =	swait.ge [sflag:s13], $0x4000  }
0x2d: {  	[sflag:s13] =	ssyncset.done $0x0  }
0x2e: {  	s19 =	ssub.s32 $0x2, s19;
	[sflag:s13] =	ssyncadd.s32 $0xFFFFC000  }
0x2f: {  	s21 =	sshrl.u32 s19, $0x1;
	_ =	swait.ge [sflag:s13], $0x4000  }
0x30: {  	s21 =	ssub.s32 s19, s21;
	[sflag:s13] =	ssyncset.done $0x0  }
0x31: {  	s31 =	smax.u32 s21, $0x1;
	[sflag:s13] =	ssyncadd.s32 $0xFFFFC000  }
0x32: {  	p0 =	sne.s32 s31, $0x1;
	_ =	swait.ge [sflag:s13], $0x4000  }
.Ltmp0:
0x33: {  	[sflag:s13] =	ssyncset.done $0x0;
	(pc) =	sbr.rel @!p0 .LBB2_2-.Ltmp0, $4  }
0x34: {  	s19 =	sadd.s32 $0x2200, s20;
	[sflag:s13] =	ssyncadd.s32 $0xFFFFC000  }
0x35: {  	[hbm4b:s19+s3] =	stream.linear.scatter [tilespmem:s7], [sflag:$0x2], $0x10000, $0x38;
	[tilespmem:$0x10400] =	vst v63  }
0x36: {  	_ =	swait.ge [sflag:s4], $0x10000  }
0x37: {  	s20 =	sadd.s32 $0xFFFFFFFF, s31;
	[sflag:s4] =	ssyncset.done $0x0  }
.LBB2_1:
0x38: {  	p0 =	sne.s32 s20, $0x1;
	s20 =	sadd.s32 $0xFFFFFFFF, s20;
	[sflag:s4] =	ssyncadd.s32 $0xFFFF0000  }
0x39: {  	[tilespmem:s3], [sflag:$0x2] =	stream.linear.gather [hbm4b:s5+s3], $0x400, $0x38;
	[tilespmem:$0x10400] =	vst v63  }
0x3a: {  	_ =	swait.ge [sflag:s4], $0x400  }
0x3b: {  	[sflag:s4] =	ssyncset.done $0x0  }
0x3c: {  	[sflag:s4] =	ssyncadd.s32 $0xFFFFFC00  }
0x3d: {  	[tilespmem:s7], [sflag:$0x1] =	stream.indirect.gather [hbm4b:s1+s6], $0x80, s3, s6, $0xb8;
	[tilespmem:$0x10400] =	vst v63  }
0x3e: {  	_ = 	snop  }
0x3f: {  	[tilespmem:s8], [sflag:$0x1] =	stream.indirect.gather [hbm4b:s1+s6], $0x80, s6, s6, $0xb8;
	[tilespmem:$0x10400] =	vst v63  }
0x40: {  	_ = 	snop  }
0x41: {  	[tilespmem:s10], [sflag:$0x1] =	stream.indirect.gather [hbm4b:s1+s6], $0x80, s9, s6, $0xb8;
	[tilespmem:$0x10400] =	vst v63  }
0x42: {  	_ = 	snop  }
0x43: {  	[tilespmem:s12], [sflag:$0x1] =	stream.indirect.gather [hbm4b:s1+s6], $0x80, s11, s6, $0xb8;
	[tilespmem:$0x10400] =	vst v63  }
0x44: {  	_ =	swait.ge [sflag:s13], $0x4000  }
0x45: {  	[sflag:s13] =	ssyncset.done $0x0  }
0x46: {  	[sflag:s13] =	ssyncadd.s32 $0xFFFFC000  }
0x47: {  	_ =	swait.ge [sflag:s13], $0x4000  }
0x48: {  	[sflag:s13] =	ssyncset.done $0x0  }
0x49: {  	[sflag:s13] =	ssyncadd.s32 $0xFFFFC000  }
0x4a: {  	_ =	swait.ge [sflag:s13], $0x4000  }
0x4b: {  	[sflag:s13] =	ssyncset.done $0x0  }
0x4c: {  	[sflag:s13] =	ssyncadd.s32 $0xFFFFC000  }
0x4d: {  	_ =	swait.ge [sflag:s13], $0x4000  }
0x4e: {  	[sflag:s13] =	ssyncset.done $0x0  }
0x4f: {  	[sflag:s13] =	ssyncadd.s32 $0xFFFFC000  }
0x50: {  	[hbm4b:s14+s3] =	stream.linear.scatter [tilespmem:s7], [sflag:$0x2], $0x10000, $0x38;
	[tilespmem:$0x10400] =	vst v63  }
0x51: {  	_ =	swait.ge [sflag:s4], $0x10000  }
0x52: {  	[sflag:s4] =	ssyncset.done $0x0  }
0x53: {  	[sflag:s4] =	ssyncadd.s32 $0xFFFF0000  }
0x54: {  	[tilespmem:s7], [sflag:$0x1] =	stream.indirect.gather [hbm4b:s1+s6], $0x80, s15, s6, $0xb8;
	[tilespmem:$0x10400] =	vst v63  }
0x55: {  	_ = 	snop  }
0x56: {  	[tilespmem:s8], [sflag:$0x1] =	stream.indirect.gather [hbm4b:s1+s6], $0x80, s16, s6, $0xb8;
	[tilespmem:$0x10400] =	vst v63  }
0x57: {  	_ = 	snop  }
0x58: {  	[tilespmem:s10], [sflag:$0x1] =	stream.indirect.gather [hbm4b:s1+s6], $0x80, s17, s6, $0xb8;
	[tilespmem:$0x10400] =	vst v63  }
0x59: {  	_ = 	snop  }
0x5a: {  	[tilespmem:s12], [sflag:$0x1] =	stream.indirect.gather [hbm4b:s1+s6], $0x80, s18, s6, $0xb8;
	[tilespmem:$0x10400] =	vst v63  }
0x5b: {  	_ =	swait.ge [sflag:s13], $0x4000  }
0x5c: {  	[sflag:s13] =	ssyncset.done $0x0  }
0x5d: {  	[sflag:s13] =	ssyncadd.s32 $0xFFFFC000  }
0x5e: {  	_ =	swait.ge [sflag:s13], $0x4000  }
0x5f: {  	[sflag:s13] =	ssyncset.done $0x0  }
0x60: {  	[sflag:s13] =	ssyncadd.s32 $0xFFFFC000  }
0x61: {  	_ =	swait.ge [sflag:s13], $0x4000  }
0x62: {  	[sflag:s13] =	ssyncset.done $0x0  }
0x63: {  	[sflag:s13] =	ssyncadd.s32 $0xFFFFC000  }
0x64: {  	_ =	swait.ge [sflag:s13], $0x4000  }
.Ltmp1:
0x65: {  	[sflag:s13] =	ssyncset.done $0x0;
	(pc) =	sbr.rel @p0 .LBB2_1-.Ltmp1, $4  }
0x66: {  	[sflag:s13] =	ssyncadd.s32 $0xFFFFC000  }
0x67: {  	[hbm4b:s19+s3] =	stream.linear.scatter [tilespmem:s7], [sflag:$0x2], $0x10000, $0x38;
	[tilespmem:$0x10400] =	vst v63  }
0x68: {  	_ =	swait.ge [sflag:s4], $0x10000  }
0x69: {  	[sflag:s4] =	ssyncset.done $0x0  }
.LBB2_2:
0x6a: {  	[sflag:s4] =	ssyncadd.s32 $0xFFFF0000  }
0x6b: {  	_ =	sfence.sel $0x180000  }
0x6c: {  	[bflag:$0x0] =	sbarrier.arrive $0xFFFF  }
0x6d: {  	p0 =	sne.s32 s0, $0x0;
	_ =	strace $0x90000047  }
0x6e: {  	s0 =	sadd.s32 @!p0 $0x100000, s2;
	[bflag:$0x2] =	sbarrier.arrive $0xFFFF  }
0x6f: {  	[sflag:s0] =	ssyncadd.tile.s32 @!p0 $0x1;
	_ =	shalt  }
.Lfunc_end2:
_tile_overlayer_lowered:
.L_overlay_start_2:
0x70: {  	(tag) =	ssettag $0x2  }
0x71: {  	s0 =	rddreg [dreg:$0x0];
	s2 =	stileid.u32  }
0x72: {  	s1 =	rddreg [dreg:$0x1];
	p0 =	sne.s32 s2, $0x0  }
0x73: {  	s3 =	rddreg [dreg:$0x2];
	[bflag:$0x3] =	sbarrier.arrive $0xFFFF;
	s2 =	simm.s32 @!p0 $0x1C02  }
0x74: {  	[timem:s3], [sflag:s2] =	dma.local @!p0 [hbm:s0], s1  }
0x75: {  	s0 =	simm.s32 @!p0 $0x2  }
0x76: {  	_ =	swait.ge @!p0 [sflag:s0], s1  }
0x77: {  	s1 =	ssub.s32 @!p0 $0x0, s1;
	[sflag:s0] =	ssyncset.done @!p0 $0x0  }
0x78: {  	[sflag:s0] =	ssyncadd.s32 @!p0 s1  }
0x79: {  	[bflag:$0x3] =	sbarrier.arrive $0xFFFF  }
0x7a: {  	_ =	shalt  }

</sc_bundles>
